<compile_context>
chip_gen: v7x
topology: tpu7x:2x2x1
jax: 0.10.2.dev20260603
libtpu: 0.0.44.dev20260713+nightly
codegen_flags: <defaults>
</compile_context>

<pallas_src>
import functools

import jax
import jax.numpy as jnp
from jax import lax
from jax.experimental import pallas as pl
from jax.experimental.pallas import tpu as pltpu
from jax.experimental.pallas import tpu_sc as plsc

S = 8192
D = 4096
L = 16
_info = plsc.get_sparse_core_info()
NC = _info.num_cores
NS = _info.num_subcores
NW = NC * NS
SLOTS_W = S // NW
CSIZE = 16
NCHUNK = SLOTS_W // CSIZE


def _body(x_hbm, m_hbm, out_hbm, mask_v, idx_v, rows_v, gsem, ssem):
    wid = lax.axis_index("s") * NC + lax.axis_index("c")
    lo = wid * SLOTS_W

    pltpu.sync_copy(m_hbm, mask_v)

    def p1(i, acc):
        return acc + mask_v[pl.ds(i * L, L)]

    acc = lax.fori_loop(0, S // L, p1, jnp.zeros((L,), jnp.int32))
    n_true = jnp.sum(acc)

    lane = lax.iota(jnp.int32, L)

    def p2(i, c1):
        m = mask_v[pl.ds(i * L, L)]
        cs = plsc.cumsum(m)
        g = i * L + lane
        rank = jnp.where(m == 1, c1 + cs - 1, n_true + g - c1 - cs)
        r = rank - lo
        ok = (r >= 0) & (r < SLOTS_W)
        rs = jnp.where(ok, r, 0)
        plsc.store_scatter(idx_v, [rs >> 4, rs & 15], g, mask=ok)
        return c1 + jnp.sum(m)

    lax.fori_loop(0, S // L, p2, jnp.int32(0))

    def mv(j, _):
        idx = idx_v.at[j]
        pltpu.async_copy(x_hbm.at[idx], rows_v, gsem).wait()
        pltpu.async_copy(rows_v, out_hbm.at[idx], ssem).wait()
        return 0

    lax.fori_loop(0, NCHUNK, mv, 0)


_routed = functools.partial(
    pl.kernel,
    mesh=plsc.VectorSubcoreMesh(core_axis_name="c", subcore_axis_name="s"),
    out_type=jax.ShapeDtypeStruct((S, D), jnp.float32),
    compiler_params=pltpu.CompilerParams(needs_layout_passes=False),
    scratch_types=[
        pltpu.VMEM((S,), jnp.int32),
        pltpu.VMEM((NCHUNK, CSIZE), jnp.int32),
        pltpu.VMEM((CSIZE, D), jnp.float32),
        pltpu.SemaphoreType.DMA,
        pltpu.SemaphoreType.DMA,
    ],
)(_body)


def kernel(x, masks):
    out = _routed(x[0], masks[0].astype(jnp.int32))
    return out[None]

# --- scband reference (transcript-rebuilt; emitter-appended) ---
"""Pipeline reference for scband-sparse-module-13864154432454 (READ-ONLY COPY).

The authoritative reference and input builder live on the scoring server;
editing this copy changes nothing except your own understanding.
"""

import jax, jax.numpy as jnp
import numpy as np

B, S, D = 1, 8192, 4096

def setup_inputs(seed: int = 0) -> dict:
    key = jax.random.key(seed)
    k1, k2 = jax.random.split(key)
    x = jax.random.normal(k1, (B, S, D), dtype=jnp.float32)
    masks = jax.random.randint(k2, (B, S), 0, 2).astype(bool)
    return {"x": x, "masks": masks}

def reference(x, masks):
    # token_splits: dense_x = x[masks], sparse_x = x[~masks] (B=1 so per-row
    # counts trivially consistent), followed by token_join scatter-overwrite
    # back into the original token order.
    n_tok = masks.shape[1]
    pos = jnp.nonzero(masks[0], size=n_tok, fill_value=0)[0]   # dense token indices
    neg = jnp.nonzero(~masks[0], size=n_tok, fill_value=0)[0]  # sparse token indices
    dense_x = jnp.take(x[0], pos, axis=0)   # [n_tok, D] gather (padded)
    sparse_x = jnp.take(x[0], neg, axis=0)  # [n_tok, D] gather (padded)
    res = jnp.zeros((x.shape[1], x.shape[2]), dtype=x.dtype)
    res = res.at[pos].set(dense_x)          # scatter-overwrite (token_join)
    res = res.at[neg].set(sparse_x)
    return res[None, :, :]

if __name__ == "__main__":
    import jax
    _d = setup_inputs()
    print(jax.jit(kernel)(*tuple(_d.values())))

</pallas_src>

<mosaic_0001>
#map = affine_map<(d0, d1) -> (0, 0)>
#map1 = affine_map<(d0, d1) -> (0)>
module attributes {stable_mosaic.version = 14 : i64} {
  func.func @_body(%arg0: i32, %arg1: i32, %arg2: memref<8192x4096xf32, #tpu.memory_space<hbm>>, %arg3: memref<8192xi32, #tpu.memory_space<hbm>>, %arg4: memref<8192x4096xf32, #tpu.memory_space<hbm>>, %arg5: memref<8192xi32, #tpu.memory_space<vmem>>, %arg6: memref<16x16xi32, #tpu.memory_space<vmem>>, %arg7: memref<16x4096xf32, #tpu.memory_space<vmem>>, %arg8: memref<!tpu.dma_semaphore, #tpu.memory_space<semaphore_mem>>, %arg9: memref<!tpu.dma_semaphore, #tpu.memory_space<semaphore_mem>>) attributes {dimension_semantics = [#tpu.dimension_semantics<core_parallel>, #tpu.dimension_semantics<subcore_parallel>], iteration_bounds = array<i64: 2, 16>, scalar_prefetch = 0 : i64, scratch_operands = 5 : i64, tpu.core_type = #tpu.core_type<sc_vector_subcore>, window_params = [{transform_indices = #map}, {transform_indices = #map1}, {transform_indices = #map}]} {
    %mul3A = arith.constant 2 : i32
    %mul3A_0 = arith.muli %arg1, %mul3A : i32
    %add3A = arith.addi %mul3A_0, %arg0 : i32
    %mul3A_1 = arith.constant 256 : i32
    %mul3A_2 = arith.muli %add3A, %mul3A_1 : i32
    "tpu.region"() ({
      %run_scoped3A = tpu.sem_alloc : memref<!tpu.dma_semaphore, #tpu.memory_space<semaphore_mem>>
      tpu.enqueue_dma source(%arg3 : memref<8192xi32, #tpu.memory_space<hbm>>) target(%arg5 : memref<8192xi32, #tpu.memory_space<vmem>>) target_semaphore(%run_scoped3A : memref<!tpu.dma_semaphore, #tpu.memory_space<semaphore_mem>>)
      tpu.wait_dma2 semaphore(%run_scoped3A : memref<!tpu.dma_semaphore, #tpu.memory_space<semaphore_mem>>) src(%arg3 : memref<8192xi32, #tpu.memory_space<hbm>>) dst(%arg5 : memref<8192xi32, #tpu.memory_space<vmem>>)
      tpu.yield
    }) : () -> ()
    %broadcast_in_dim3A = arith.constant 0 : i32
    %broadcast_in_dim3A_3 = vector.broadcast %broadcast_in_dim3A : i32 to vector<16xi32>
    %scan3A = arith.constant 0 : i32
    %scan3A_4 = arith.constant 512 : i32
    %scan3A_5 = arith.addi %scan3A, %scan3A_4 : i32
    %scan3A_6 = arith.constant 1 : i32
    %scan3A_7 = scf.for %scan3A_26 = %scan3A to %scan3A_5 step %scan3A_6 iter_args(%scan3A_27 = %broadcast_in_dim3A_3) -> (vector<16xi32>)  : i32 {
      %mul3A_28 = arith.constant 16 : i32
      %mul3A_29 = arith.muli %scan3A_26, %mul3A_28 : i32
      %get3A = arith.index_cast %mul3A_29 : i32 to index
      %get3A_30 = tpu.vector_load %arg5[%get3A] {strides = array<i32>} : memref<8192xi32, #tpu.memory_space<vmem>>, vector<16xi32>,
      %add3A_31 = arith.addi %scan3A_27, %get3A_30 : vector<16xi32>
      scf.yield %add3A_31 : vector<16xi32>
    }
    %scan3A_8 = arith.constant 512 : i32
    %reduce_sum3A = arith.constant true
    %reduce_sum3A_9 = vector.broadcast %reduce_sum3A : i1 to vector<16xi1>
    %reduce_sum3A_10 = tpu.scan <sum>, %scan3A_7 masked %reduce_sum3A_9 : vector<16xi32>, vector<16xi1> -> vector<16xi32>
    %reduce_sum3A_11 = vector.extract %reduce_sum3A_10[15] : i32 from vector<16xi32>
    %iota3A = tpu.iota {dimensions = array<i32: 0>} : vector<16xi32>
    %scan3A_12 = arith.constant 0 : i32
    %scan3A_13 = arith.constant 0 : i32
    %scan3A_14 = arith.constant 512 : i32
    %scan3A_15 = arith.addi %scan3A_13, %scan3A_14 : i32
    %scan3A_16 = arith.constant 1 : i32
    %scan3A_17 = scf.for %scan3A_26 = %scan3A_13 to %scan3A_15 step %scan3A_16 iter_args(%scan3A_27 = %scan3A_12) -> (i32)  : i32 {
      %mul3A_28 = arith.constant 16 : i32
      %mul3A_29 = arith.muli %scan3A_26, %mul3A_28 : i32
      %get3A = arith.index_cast %mul3A_29 : i32 to index
      %get3A_30 = tpu.vector_load %arg5[%get3A] {strides = array<i32>} : memref<8192xi32, #tpu.memory_space<vmem>>, vector<16xi32>,
      %broadcast_in_dim3A_31 = arith.constant true
      %broadcast_in_dim3A_32 = vector.broadcast %broadcast_in_dim3A_31 : i1 to vector<16xi1>
      %masked_cumsum3A = tpu.scan <sum>, %get3A_30 masked %broadcast_in_dim3A_32 : vector<16xi32>, vector<16xi1> -> vector<16xi32>
      %mul3A_33 = arith.constant 16 : i32
      %mul3A_34 = arith.muli %scan3A_26, %mul3A_33 : i32
      %add3A_35 = vector.broadcast %mul3A_34 : i32 to vector<16xi32>
      %add3A_36 = arith.addi %add3A_35, %iota3A : vector<16xi32>
      %eq3A = arith.constant 1 : i32
      %eq3A_37 = vector.broadcast %eq3A : i32 to vector<16xi32>
      %eq3A_38 = arith.cmpi eq, %get3A_30, %eq3A_37 : vector<16xi32>
      %add3A_39 = vector.broadcast %scan3A_27 : i32 to vector<16xi32>
      %add3A_40 = arith.addi %add3A_39, %masked_cumsum3A : vector<16xi32>
      %sub3A = arith.constant 1 : i32
      %sub3A_41 = vector.broadcast %sub3A : i32 to vector<16xi32>
      %sub3A_42 = arith.subi %add3A_40, %sub3A_41 : vector<16xi32>
      %add3A_43 = vector.broadcast %reduce_sum3A_11 : i32 to vector<16xi32>
      %add3A_44 = arith.addi %add3A_43, %add3A_36 : vector<16xi32>
      %sub3A_45 = vector.broadcast %scan3A_27 : i32 to vector<16xi32>
      %sub3A_46 = arith.subi %add3A_44, %sub3A_45 : vector<16xi32>
      %sub3A_47 = arith.subi %sub3A_46, %masked_cumsum3A : vector<16xi32>
      %select_n3A = arith.select %eq3A_38, %sub3A_42, %sub3A_47 : vector<16xi1>, vector<16xi32>
      %sub3A_48 = vector.broadcast %mul3A_2 : i32 to vector<16xi32>
      %sub3A_49 = arith.subi %select_n3A, %sub3A_48 : vector<16xi32>
      %ge3A = arith.constant 0 : i32
      %ge3A_50 = vector.broadcast %ge3A : i32 to vector<16xi32>
      %ge3A_51 = arith.cmpi sge, %sub3A_49, %ge3A_50 : vector<16xi32>
      %lt3A = arith.constant 256 : i32
      %lt3A_52 = vector.broadcast %lt3A : i32 to vector<16xi32>
      %lt3A_53 = arith.cmpi slt, %sub3A_49, %lt3A_52 : vector<16xi32>
      %and3A = arith.andi %ge3A_51, %lt3A_53 : vector<16xi1>
      %jit3A = arith.constant 0 : i32
      %broadcast_in_dim3A_54 = vector.broadcast %jit3A : i32 to vector<16xi32>
      %select_n3A_55 = arith.select %and3A, %sub3A_49, %broadcast_in_dim3A_54 : vector<16xi1>, vector<16xi32>
      %shift_right_arithmetic3A = arith.constant 4 : i32
      %shift_right_arithmetic3A_56 = vector.broadcast %shift_right_arithmetic3A : i32 to vector<16xi32>
      %shift_right_arithmetic3A_57 = arith.shrsi %select_n3A_55, %shift_right_arithmetic3A_56 : vector<16xi32>
      %and3A_58 = arith.constant 15 : i32
      %and3A_59 = vector.broadcast %and3A_58 : i32 to vector<16xi32>
      %and3A_60 = arith.andi %select_n3A_55, %and3A_59 : vector<16xi32>
      tpu.vector_store_idx %arg6[%shift_right_arithmetic3A_57, %and3A_60], %add3A_36 masked %and3A : memref<16x16xi32, #tpu.memory_space<vmem>>[vector<16xi32>, vector<16xi32>], vector<16xi32>, vector<16xi1>
      %reduce_sum3A_61 = arith.constant true
      %reduce_sum3A_62 = vector.broadcast %reduce_sum3A_61 : i1 to vector<16xi1>
      %reduce_sum3A_63 = tpu.scan <sum>, %get3A_30 masked %reduce_sum3A_62 : vector<16xi32>, vector<16xi1> -> vector<16xi32>
      %reduce_sum3A_64 = vector.extract %reduce_sum3A_63[15] : i32 from vector<16xi32>
      %add3A_65 = arith.addi %scan3A_27, %reduce_sum3A_64 : i32
      scf.yield %add3A_65 : i32
    }
    %scan3A_18 = arith.constant 512 : i32
    %scan3A_19 = arith.constant 0 : i32
    %scan3A_20 = arith.constant 0 : i32
    %scan3A_21 = arith.constant 16 : i32
    %scan3A_22 = arith.addi %scan3A_20, %scan3A_21 : i32
    %scan3A_23 = arith.constant 1 : i32
    %scan3A_24 = scf.for %scan3A_26 = %scan3A_20 to %scan3A_22 step %scan3A_23 iter_args(%scan3A_27 = %scan3A_19) -> (i32)  : i32 {
      %dma_start3A = arith.constant 0 : i32
      %dma_start3A_28 = tpu.memref_slice %arg6[%scan3A_26, %dma_start3A] : memref<16x16xi32, #tpu.memory_space<vmem>> -> memref<1x16xi32, #tpu.memory_space<vmem>>
      %dma_start3A_29 = tpu.memref_squeeze %dma_start3A_28 : memref<1x16xi32, #tpu.memory_space<vmem>> -> memref<16xi32, #tpu.memory_space<vmem>>
      %dma_start3A_30 = arith.constant 0 : i32
      %dma_start3A_31 = arith.constant 0 : i32
      %dma_start3A_32 = tpu.memref_slice %arg2[%dma_start3A_30, %dma_start3A_31] : memref<8192x4096xf32, #tpu.memory_space<hbm>> -> memref<8192x4096xf32, #tpu.memory_space<hbm>>
      tpu.enqueue_indirect_dma source(%dma_start3A_32 : memref<8192x4096xf32, #tpu.memory_space<hbm>>) target(%arg7 : memref<16x4096xf32, #tpu.memory_space<vmem>>) offsets(%dma_start3A_29 : memref<16xi32, #tpu.memory_space<vmem>>) semaphore(%arg8 : memref<!tpu.dma_semaphore, #tpu.memory_space<semaphore_mem>>)
      %dma_wait3A = arith.constant 0 : i32
      %dma_wait3A_33 = tpu.memref_slice %arg6[%scan3A_26, %dma_wait3A] : memref<16x16xi32, #tpu.memory_space<vmem>> -> memref<1x16xi32, #tpu.memory_space<vmem>>
      %dma_wait3A_34 = tpu.memref_squeeze %dma_wait3A_33 : memref<1x16xi32, #tpu.memory_space<vmem>> -> memref<16xi32, #tpu.memory_space<vmem>>
      %dma_wait3A_35 = arith.constant 0 : i32
      %dma_wait3A_36 = arith.constant 0 : i32
      %dma_wait3A_37 = tpu.memref_slice %arg2[%dma_wait3A_35, %dma_wait3A_36] : memref<8192x4096xf32, #tpu.memory_space<hbm>> -> memref<8192x4096xf32, #tpu.memory_space<hbm>>
      tpu.wait_indirect_dma semaphore(%arg8 : memref<!tpu.dma_semaphore, #tpu.memory_space<semaphore_mem>>) src(%dma_wait3A_37 : memref<8192x4096xf32, #tpu.memory_space<hbm>>) dst(%arg7 : memref<16x4096xf32, #tpu.memory_space<vmem>>)
      %dma_start3A_38 = arith.constant 0 : i32
      %dma_start3A_39 = tpu.memref_slice %arg6[%scan3A_26, %dma_start3A_38] : memref<16x16xi32, #tpu.memory_space<vmem>> -> memref<1x16xi32, #tpu.memory_space<vmem>>
      %dma_start3A_40 = tpu.memref_squeeze %dma_start3A_39 : memref<1x16xi32, #tpu.memory_space<vmem>> -> memref<16xi32, #tpu.memory_space<vmem>>
      %dma_start3A_41 = arith.constant 0 : i32
      %dma_start3A_42 = arith.constant 0 : i32
      %dma_start3A_43 = tpu.memref_slice %arg4[%dma_start3A_41, %dma_start3A_42] : memref<8192x4096xf32, #tpu.memory_space<hbm>> -> memref<8192x4096xf32, #tpu.memory_space<hbm>>
      tpu.enqueue_indirect_dma source(%arg7 : memref<16x4096xf32, #tpu.memory_space<vmem>>) target(%dma_start3A_43 : memref<8192x4096xf32, #tpu.memory_space<hbm>>) offsets(%dma_start3A_40 : memref<16xi32, #tpu.memory_space<vmem>>) semaphore(%arg9 : memref<!tpu.dma_semaphore, #tpu.memory_space<semaphore_mem>>)
      %dma_wait3A_44 = arith.constant 0 : i32
      %dma_wait3A_45 = tpu.memref_slice %arg6[%scan3A_26, %dma_wait3A_44] : memref<16x16xi32, #tpu.memory_space<vmem>> -> memref<1x16xi32, #tpu.memory_space<vmem>>
      %dma_wait3A_46 = tpu.memref_squeeze %dma_wait3A_45 : memref<1x16xi32, #tpu.memory_space<vmem>> -> memref<16xi32, #tpu.memory_space<vmem>>
      %dma_wait3A_47 = arith.constant 0 : i32
      %dma_wait3A_48 = arith.constant 0 : i32
      %dma_wait3A_49 = tpu.memref_slice %arg4[%dma_wait3A_47, %dma_wait3A_48] : memref<8192x4096xf32, #tpu.memory_space<hbm>> -> memref<8192x4096xf32, #tpu.memory_space<hbm>>
      tpu.wait_indirect_dma semaphore(%arg9 : memref<!tpu.dma_semaphore, #tpu.memory_space<semaphore_mem>>) src(%arg7 : memref<16x4096xf32, #tpu.memory_space<vmem>>) dst(%dma_wait3A_49 : memref<8192x4096xf32, #tpu.memory_space<hbm>>)
      %scan3A_50 = arith.constant 0 : i32
      scf.yield %scan3A_50 : i32
    }
    %scan3A_25 = arith.constant 16 : i32
    return
  }
}

</mosaic_0001>

<sc_bundles>
// kernel: kernel.3.cloned.1.call-start
scs
__scs_entry_jumppad:
0x0: {  	(pc) =	sbr.rel $0x88, $3  }
0x1: {  	(tag) =	ssettag $0x0;
	lr =	simm.s32 $0x1  }
0x2: {  	[smem:$0x3F9F] =	sst lr;
	_ =	strace $0xD0000000  }
0x3: {  	_ = 	snop  }
0x4: {  	_ = 	snop  }
0x5: {  	_ = 	snop  }
0x6: {  	_ = 	snop  }
0x7: {  	_ = 	snop  }
__scs_overlays_trampoline_lowered:
0x8: {  	[smem:$0x3FAE] =	sst s0  }
0x9: {  	[smem:$0x3FAF] =	sst s1  }
0xa: {  	[smem:$0x3FB0] =	sst s2  }
0xb: {  	[smem:$0x3FB1] =	sst s3  }
0xc: {  	[smem:$0x3FB2] =	sst s4  }
0xd: {  	[smem:$0x3FB3] =	sst s5  }
0xe: {  	[smem:$0x3FB4] =	sst s6  }
0xf: {  	[smem:$0x3FB5] =	sst s7  }
0x10: {  	[smem:$0x3FB6] =	sst s8  }
0x11: {  	[smem:$0x3FB7] =	sst s9;
	s0 =	simm.s32 @!p0 $0x0  }
0x12: {  	s1 =	sld [smem:$0x3F9D];
	s0 =	simm.s32 @p0 $0x1  }
0x13: {  	[smem:$0x3FB8] =	sst s0;
	s0 =	simm.s32 @!p1 $0x0  }
0x14: {  	s2 =	sld [smem:$0x3F9C];
	s0 =	simm.s32 @p1 $0x1  }
0x15: {  	[smem:$0x3FB9] =	sst s0;
	s0 =	simm.s32 @!p2 $0x0  }
0x16: {  	s3 =	sld [smem:$0x3FDB];
	s0 =	simm.s32 @p2 $0x1  }
0x17: {  	s4 =	simm.s32 $0x1BF5;
	[smem:$0x3FBB] =	sst s0  }
0x18: {  	s0 =	sld [smem:$0x3F9E];
	_ =	swait.ge [sflag:s4], $0x0  }
0x19: {  	s7 =	sld [smem:$0x3F9F]  }
0x1a: {  	s8 =	sadd.s32 $0xFFFFE003, lr  }
0x1b: {  	s9 =	sadd.s32 $0xFFFFFEF7, lr;
	s5 =	simm.s32 $0xFFFFFFFF;
	p2 =	slt.u32 s8, $0xFFFFF086  }
0x1c: {  	p1 =	slt.u32 s9, $0xF7A;
	s5 =	simm.s32 @!p2 $0x0  }
0x1d: {  	s5 =	simm.s32 @p1 $0x1;
	p0 =	seq.s32 s7, s2  }
0x1e: {  	s7 =	smul.u32 @!p0 $0xF7A, s2;
	p2 =	seq.s32 @!p0 s5, $0x0  }
0x1f: {  	s9 =	smul.u32 $0xF7A, s1;
	s8 =	simm.s32 @!p0 $0x1BF5;
	p2 =	por !p2, p0  }
0x20: {  	[sflag:s8] =	ssyncset.s32 @!p0 $0xFFFFF086;
	s6 =	sadd.s32 @!p0 s3, s7;
	s7 =	simm.s32 @!p0 $0x108  }
0x21: {  	s3 =	sadd.s32 s3, s9;
	s6 =	sadd.s32 @!p0 $0x88, s6;
	s7 =	simm.s32 @p2 $0x1082  }
0x22: {  	[simem:s7], [sflag:s8] =	dma.local @!p0 [hbm:s6], $0xF7A  }
0x23: {  	s9 =	sor.u32 $0xD0000000, s2;
	s6 =	simm.s32 $0x108;
	_ =	swait.ge @!p0 [sflag:s8], $0x0  }
0x24: {  	s3 =	sadd.s32 $0x88, s3;
	s6 =	simm.s32 @!p1 $0x1082;
	[sflag:s4] =	ssyncset.s32 $0xFFFFF086  }
0x25: {  	[simem:s6], [sflag:s4] =	dma.local [hbm:s3], $0xF7A  }
0x26: {  	[smem:$0x3F9F] =	sst s1;
	(tag) =	ssettag s2;
	_ =	strace s9  }
0x27: {  	s1 =	sld [smem:$0x3FAF]  }
0x28: {  	s2 =	sld [smem:$0x3FB0]  }
0x29: {  	s4 =	sld [smem:$0x3FB2]  }
0x2a: {  	p0 =	seq.s32 s5, $0x0;
	s5 =	sld [smem:$0x3FB3]  }
0x2b: {  	s6 =	sld [smem:$0x3FB4]  }
0x2c: {  	s7 =	sld [smem:$0x3FB5]  }
0x2d: {  	s3 =	simm.s32 $0x108;
	s8 =	sld [smem:$0x3FB6]  }
0x2e: {  	s3 =	simm.s32 @!p0 $0x1082;
	s9 =	sld [smem:$0x3FB7]  }
0x2f: {  	lr =	sadd.s32 s0, s3;
	s0 =	sld [smem:$0x3FAE]  }
0x30: {  	s3 =	sld [smem:$0x3FB1]  }
0x31: {  	[smem:$0x3FBA] =	sst s10  }
0x32: {  	s10 =	sld [smem:$0x3FB8];
	_ =	sdelay $0x3  }
0x33: {  	p0 =	seq.s32 s10, $0x1;
	s10 =	sld [smem:$0x3FBA];
	_ =	sdelay $0x3  }
0x34: {  	[smem:$0x3FBA] =	sst s10  }
0x35: {  	s10 =	sld [smem:$0x3FB9];
	_ =	sdelay $0x3  }
0x36: {  	p1 =	seq.s32 s10, $0x1;
	s10 =	sld [smem:$0x3FBA];
	_ =	sdelay $0x3  }
0x37: {  	[smem:$0x3FBA] =	sst s10  }
0x38: {  	s10 =	sld [smem:$0x3FBB]  }
0x39: {  	_ = 	snop;
	(pc) =	sbr.ind lr, $3  }
0x3a: {  	_ = 	snop  }
0x3b: {  	_ = 	snop  }
0x3c: {  	p2 =	seq.s32 s10, $0x1;
	s10 =	sld [smem:$0x3FBA]  }
0x3d: {  	_ =	shalt  }
0x3e: {  	_ =	shalt  }
0x3f: {  	_ =	shalt  }
0x40: {  	_ =	shalt  }
0x41: {  	_ =	shalt  }
0x42: {  	_ =	shalt  }
0x43: {  	_ =	shalt  }
0x44: {  	_ =	shalt  }
0x45: {  	_ =	shalt  }
0x46: {  	_ =	shalt  }
0x47: {  	_ =	shalt  }
0x48: {  	_ =	shalt  }
0x49: {  	_ =	shalt  }
0x4a: {  	_ =	shalt  }
0x4b: {  	_ =	shalt  }
0x4c: {  	_ =	shalt  }
0x4d: {  	_ =	shalt  }
0x4e: {  	_ =	shalt  }
0x4f: {  	_ =	shalt  }
0x50: {  	_ =	shalt  }
0x51: {  	_ =	shalt  }
0x52: {  	_ =	shalt  }
0x53: {  	_ =	shalt  }
0x54: {  	_ =	shalt  }
0x55: {  	_ =	shalt  }
0x56: {  	_ =	shalt  }
0x57: {  	_ =	shalt  }
0x58: {  	_ =	shalt  }
0x59: {  	_ =	shalt  }
0x5a: {  	_ =	shalt  }
0x5b: {  	_ =	shalt  }
0x5c: {  	_ =	shalt  }
0x5d: {  	_ =	shalt  }
0x5e: {  	_ =	shalt  }
0x5f: {  	_ =	shalt  }
0x60: {  	_ =	shalt  }
0x61: {  	_ =	shalt  }
0x62: {  	_ =	shalt  }
0x63: {  	_ =	shalt  }
0x64: {  	_ =	shalt  }
0x65: {  	_ =	shalt  }
0x66: {  	_ =	shalt  }
0x67: {  	_ =	shalt  }
0x68: {  	_ =	shalt  }
0x69: {  	_ =	shalt  }
0x6a: {  	_ =	shalt  }
0x6b: {  	_ =	shalt  }
0x6c: {  	_ =	shalt  }
0x6d: {  	_ =	shalt  }
0x6e: {  	_ =	shalt  }
0x6f: {  	_ =	shalt  }
0x70: {  	_ =	shalt  }
0x71: {  	_ =	shalt  }
0x72: {  	_ =	shalt  }
0x73: {  	_ =	shalt  }
0x74: {  	_ =	shalt  }
0x75: {  	_ =	shalt  }
0x76: {  	_ =	shalt  }
0x77: {  	_ =	shalt  }
0x78: {  	_ =	shalt  }
0x79: {  	_ =	shalt  }
0x7a: {  	_ =	shalt  }
0x7b: {  	_ =	shalt  }
0x7c: {  	_ =	shalt  }
0x7d: {  	_ =	shalt  }
0x7e: {  	_ =	shalt  }
0x7f: {  	_ =	shalt  }
0x80: {  	_ =	shalt  }
0x81: {  	_ =	shalt  }
0x82: {  	_ =	shalt  }
0x83: {  	_ =	shalt  }
0x84: {  	_ =	shalt  }
0x85: {  	_ =	shalt  }
0x86: {  	_ =	shalt  }
0x87: {  	_ =	shalt  }
.Lfunc_end0:
.L_simem_size_0:
called_computation_lowered:
.L_overlay_start_0:
0x88: {  	s2 =	sld [smem:$0x3FD9]  }
0x89: {  	s3 =	sld [smem:$0x3FFE];
	_ =	sdelay $0x1  }
0x8a: {  	s1 =	srdreg.scid  }
0x8b: {  	s0 =	sand.u32 $0x1, s1  }
0x8c: {  	s17 =	sshll.u32 s0, $0xA;
	s2 =	sadd.s32 s3, s2  }
0x8d: {  	s2 =	sadd.s32 s2, s17  }
0x8e: {  	[smem:$0x3FC6] =	sst s2  }
0x8f: {  	_ = 	snop  }
0x90: {  	s2 =	sld [smem:$0x3FC9]  }
0x91: {  	s18 =	sld [smem:$0x3FD0];
	(tm) =	ssettm $0x1  }
0x92: {  	s4 =	sld [smem:$0x3FFB];
	_ =	sdelay $0x3  }
0x93: {  	_ =	strace s4  }
0x94: {  	s4 =	sld [smem:$0x3FFC];
	_ =	sdelay $0x3  }
0x95: {  	_ =	strace s4  }
0x96: {  	s4 =	sld [smem:$0x3FFD];
	_ =	sdelay $0x3  }
0x97: {  	_ =	strace s4  }
0x98: {  	_ =	strace $0x8FFFFFFF  }
0x99: {  	s19 =	sld [smem:$0x3FDB];
	_ =	sdelay $0x1  }
0x9a: {  	s5 =	simm.s32 $_scs_section_size  }
0x9b: {  	s6 =	simm.s32 $_size__tile_overlayer_lowered;
	s7 =	simm.s32 $_tile_overlayer_lowered  }
0x9c: {  	s22 =	simm.s32 $0x1BFF;
	s21 =	sshll.u32 s7, $0x1;
	s4 =	sadd.s32 s5, s19  }
0x9d: {  	s8 =	simm.s32 $0x0;
	s20 =	sshll.u32 s6, $0x1;
	s6 =	sadd.s32 s21, s4  }
0x9e: {  	[timem:s8], [sflag:s22] =	dma.local [hbm:s6], s20  }
0x9f: {  	_ =	swait.ge [sflag:s22], s20  }
0xa0: {  	s5 =	ssub.s32 $0x0, s20;
	[sflag:s22] =	ssyncset.done $0x0  }
0xa1: {  	[sflag:s22] =	ssyncadd.s32 s5;
	_ =	sdelay $0x1  }
0xa2: {  	s23 =	simm.s32 $0x1B8B  }
0xa3: {  	_ =	swait.ge [sflag:s23], $0x1  }
0xa4: {  	[sflag:s23] =	ssyncset.done $0x0  }
0xa5: {  	s25 =	simm.s32 $0x1B8E;
	s24 =	sld [smem:$0x3FFE];
	[sflag:s23] =	ssyncadd.s32 $0xFFFFFFFF  }
0xa6: {  	s26 =	simm.s32 $execute0_lowered;
	[smem:$0x3FD2] =	sst s25  }
0xa7: {  	s6 =	sshll.u32 s26, $0x1;
	_ =	strace $0x80000046;
	[dreg:$0x1] =	wrdreg $0xFFFFFFFF  }
0xa8: {  	s28 =	simm.s32 $_size_execute0_lowered;
	s4 =	sadd.s32 s4, s6;
	[dreg:$0x0] =	wrdreg $0x0  }
0xa9: {  	s6 =	sshll.u32 s28, $0x1;
	[dreg:$0x2] =	wrdreg s4  }
0xaa: {  	[dreg:$0x3] =	wrdreg s6  }
0xab: {  	[dreg:$0x4] =	wrdreg $0xC0  }
0xac: {  	_ =	task [dreg:s8], $0x5FFFF  }
0xad: {  	[dreg:$0x1] =	wrdreg $0xFFFFFFFF  }
0xae: {  	[dreg:$0x0] =	wrdreg $0x60  }
0xaf: {  	[dreg:$0x2] =	wrdreg s2  }
0xb0: {  	[dreg:$0x3] =	wrdreg s24  }
0xb1: {  	[dreg:$0x4] =	wrdreg s18  }
0xb2: {  	[dreg:$0x5] =	wrdreg $0x9  }
0xb3: {  	_ =	task.clear_ibuf [dreg:s8], $0x6FFFF;
	_ =	strace $0x90000046  }
0xb4: {  	s29 =	simm.s32 $0x9;
	_ =	strace $0x80000048  }
0xb5: {  	_ =	swait.ge [sflag:s29], $0x1  }
0xb6: {  	[sflag:s29] =	ssyncadd.s32 $0xFFFFFFFF  }
0xb7: {  	_ =	strace $0x90000048  }
0xb8: {  	_ =	sfence  }
0xb9: {  	s30 =	sld [smem:$0x0];
	_ =	sdelay $0x2  }
0xba: {  	s31 =	sshll.u32 s1, $0xD;
	s1 =	sshrl.u32 s1, $0x2  }
0xbb: {  	s3 =	sand.u32 $0x4000, s31;
	s1 =	sadd.s32 s1, s30  }
0xbc: {  	s0 =	sor.u32 s3, s0;
	s1 =	sshll.u32 s1, $0x11  }
0xbd: {  	s0 =	sor.u32 s1, s0  }
0xbe: {  	s0 =	sadd.s32 $0x8F2B, s0  }
0xbf: {  	[sflag:s0] =	ssyncadd.remote.s32 $0x1  }
0xc0: {  	_ =	sfence.sel $0xFFFF  }
0xc1: {  	[dreg:$0x0] =	wrdreg $0xFFFFFFFF;
	(pc) =	sbr.abs _section_cstart, $3  }
0xc2: {  	[dreg:$0x1] =	wrdreg $0xFFFFFFFF  }
0xc3: {  	_ =	task.clear_ibuf [dreg:s8], $0x2FFFF;
	_ =	strace $0x9FFFFFFF  }
0xc4: {  	(tm) =	ssettm $0x7FFFFFFF  }
0xc5: {  	_ =	shalt  }
tec
execute0_lowered:
.L_overlay_start_1:
0x0: {  	(tag) =	ssettag $0x1  }
0x1: {  	s5 =	rddreg [dreg:$0x0]  }
0x2: {  	s0 =	rddreg [dreg:$0x1]  }
0x3: {  	s7 =	rddreg [dreg:$0x2];
	s0 =	sadd.s32 $0x400, s0  }
0x4: {  	_ =	strace $0x80000047;
	s25 =	sadd.s32 $0x100, s5;
	[dreg:$0x4] =	wrdreg s0  }
0x5: {  	s26 =	sadd.s32 $0x200, s5;
	[dreg:$0x5] =	wrdreg s25  }
0x6: {  	s31 =	sadd.s32 $0x300, s5;
	[dreg:$0x6] =	wrdreg s26  }
0x7: {  	s13 =	sadd.s32 $0x400, s5;
	[dreg:$0x7] =	wrdreg s31  }
0x8: {  	s14 =	sadd.s32 $0x500, s5;
	[dreg:$0x8] =	wrdreg s13  }
0x9: {  	s15 =	sadd.s32 $0x600, s5;
	[dreg:$0x9] =	wrdreg s14  }
0xa: {  	s16 =	sadd.s32 $0x700, s5;
	[dreg:$0xa] =	wrdreg s15  }
0xb: {  	s17 =	sadd.s32 $0x800, s5;
	[dreg:$0xb] =	wrdreg s16  }
0xc: {  	s18 =	sadd.s32 $0x900, s5;
	[dreg:$0xc] =	wrdreg s17  }
0xd: {  	s19 =	sadd.s32 $0xA00, s5;
	[dreg:$0xd] =	wrdreg s18  }
0xe: {  	s20 =	sadd.s32 $0xB00, s5;
	[dreg:$0xe] =	wrdreg s19  }
0xf: {  	s21 =	sadd.s32 $0xC00, s5;
	[dreg:$0xf] =	wrdreg s20  }
0x10: {  	s22 =	sadd.s32 $0xD00, s5;
	[dreg:$0x10] =	wrdreg s21  }
0x11: {  	s23 =	sadd.s32 $0xE00, s5;
	[dreg:$0x11] =	wrdreg s22  }
0x12: {  	s28 =	sadd.s32 $0x200, s7;
	[dreg:$0x12] =	wrdreg s23  }
0x13: {  	s29 =	sadd.s32 $0x300, s7;
	[dreg:$0x15] =	wrdreg s28  }
0x14: {  	s30 =	sadd.s32 $0x400, s7;
	[dreg:$0x16] =	wrdreg s29  }
0x15: {  	s1 =	srdreg.scid;
	s10 =	sadd.s32 $0xB00, s7;
	[dreg:$0x17] =	wrdreg s30  }
0x16: {  	s4 =	stileid.u32;
	s8 =	sadd.s32 $0xC00, s7;
	[dreg:$0x1f] =	wrdreg s10  }
0x17: {  	s1 =	sand.u32 $0x1, s1;
	s9 =	sadd.s32 $0xD00, s7;
	[smem:$0x7FA] =	sst s8  }
0x18: {  	s4 =	sshll.u32 s4, $0x9;
	s11 =	sadd.s32 $0xE00, s7;
	[smem:$0x7FB] =	sst s9  }
0x19: {  	s12 =	sadd.s32 $0xF00, s7;
	s2 =	ssub.s32 $0x2, s1;
	[smem:$0x7FC] =	sst s11  }
0x1a: {  	s1 =	sshll.u32 s1, $0x8;
	s25 =	sadd.s32 $0xF00, s5;
	[smem:$0x7FD] =	sst s12  }
0x1b: {  	s26 =	sadd.s32 $0x100, s7;
	s31 =	sadd.s32 $0x500, s7;
	[dreg:$0x13] =	wrdreg s25  }
0x1c: {  	s5 =	simm.s32 $0x2000;
	s28 =	simm.s32 $0x6000;
	[dreg:$0x14] =	wrdreg s26  }
0x1d: {  	s6 =	sor.u32 s1, s4;
	s4 =	sadd.s32 $0x800, s7;
	[dreg:$0x18] =	wrdreg s31  }
0x1e: {  	s3 =	sshrl.u32 s2, $0x1;
	s1 =	sadd.s32 $0xA00, s7;
	[dreg:$0x1b] =	wrdreg s4  }
0x1f: {  	s24 =	ssub.s32 s2, s3;
	s3 =	sadd.s32 $0x700, s7;
	[dreg:$0x1e] =	wrdreg s1  }
0x20: {  	s29 =	simm.s32 $0x6800;
	s0 =	smax.u32 s24, $0x1;
	[dreg:$0x1a] =	wrdreg s3  }
0x21: {  	v0 =	vlaneseq.u32;
	s30 =	simm.s32 $0x7000;
	s24 =	sadd.s32 $0x900, s7;
	[dreg:$0x1c] =	wrdreg s0  }
0x22: {  	vm0 =	vmmov $0xffff;
	v2 =	vand.u32 $0x7, v0;
	v3 =	vshrl.u32 v0, $0x3;
	s25 =	simm.s32 $0x5800;
	s0 =	sadd.s32 $0x600, s7;
	[dreg:$0x1d] =	wrdreg s24  }
0x23: {  	v4 =	vor.u32 $0x8, v0;
	v3 =	vmul.u32 $0x8, v3;
	s2 =	simm.s32 $0x0;
	v1 =	vmov s6;
	s7 =	simm.s32 $0x0;
	[dreg:$0x19] =	wrdreg s0  }
.LBB2_1:
0x24: {  	[smem:$0x7F9] =	sst s7  }
0x25: {  	s6 =	rddreg [dreg:$0x4];
	s26 =	simm.s32 $0x3  }
0x26: {  	[tilespmem:s2], [sflag:$0x3] =	stream.linear.gather [hbm4b:s6+s2], $0x2000, $0x38;
	[tilespmem:$0x12800] =	vst v63  }
0x27: {  	_ =	swait.ge [sflag:s26], $0x2000  }
0x28: {  	[sflag:s26] =	ssyncset.done $0x0  }
0x29: {  	s31 =	simm.s32 $0x0;
	[sflag:s26] =	ssyncadd.s32 $0xFFFFE000  }
0x2a: {  	v5 =	vimm.s32 $0x0;
	s6 =	simm.s32 $0x40;
	v6 =	vld [tilespmem:s31+$0x0]  }
.LBB2_2:
0x2b: {  	p0 =	sne.s32 s6, $0x7FC0  }
.Ltmp0:
0x2c: {  	_ = 	snop;
	(pc) =	sbr.rel @p0 .LBB2_2-.Ltmp0, $3  }
0x2d: {  	_ =	sdelay $0x1  }
0x2e: {  	s7 =	sshra.s32 s6, $0x2;
	s6 =	sadd.s32 $0x40, s6;
	v5 =	vadd.s32 v5, v6  }
0x2f: {  	v6 =	vld [tilespmem:s7+$0x0]  }
0x30: {  	_ = 	snop  }
0x31: {  	s12 =	simm.s32 $0x0  }
0x32: {  	v7 =	vld [tilespmem:s12+$0x0];
	_ =	sdelay $0x1  }
0x33: {  	v5 =	vadd.s32 v5, v6  }
0x34: {  	(xrf0) =	vadd.scan.msk.s32 $0xffff, v5;
	_ =	sdelay $0x1  }
0x35: {  	(xrf0) =	vadd.scan.msk.s32 $0xffff, v7;
	_ =	sdelay $0x3  }
0x36: {  	v5, _, _ =	vpop (xrf0)  }
0x37: {  	v5 =	vbroadcast v5, $0xF  }
0x38: {  	v6 =	vor.u32 s12, v0;
	v8, _, _ =	vpop (xrf0)  }
0x39: {  	v9 =	vadd.s32 s12, v8;
	(v2sf) =	vpush v8, $0xF;
	v10 =	vadd.s32 v5, v6  }
0x3a: {  	vm1 =	veq.s32 v7, $0x1;
	v7 =	vsub.s32 v10, v9;
	v9 =	vadd.s32 $0xFFFFFFFF, v9  }
0x3b: {  	v7 =	vsel vm1, v9, v7  }
0x3c: {  	v7 =	vsub.s32 v7, v1  }
0x3d: {  	vm1 =	vlt.u32 v7, $0x100  }
0x3e: {  	v7 =	vnsel vm1, $0x0, v7  }
0x3f: {  	v63 =	vshll.u32 v7, $0x3  }
0x40: {  	v7 =	vand.u32 $0xF, v7;
	v9 =	vand.u32 $0xFFFFFF80, v63  }
0x41: {  	v7 =	vor.u32 v7, v9;
	_ =	sdelay $0x4  }
0x42: {  	s7 =	simm.s32 $0x10;
	[tilespmem:v7+s5+$0x0] =	vst.idx.msk vm1, v6  }
0x43: {  	s9 =	simm.s32 $0x20;
	s8 =	simm.s32 $0x0;
	s10 =	simm.s32 $0x10;
	v6 =	vld [tilespmem:s7+$0x0]  }
.LBB2_4:
0x44: {  	p0 =	sne.s32 s9, $0x1FF0;
	s11 =	spop (v2sf)  }
0x45: {  	s8 =	sadd.s32 s8, s11;
	_ =	sdelay $0x2  }
0x46: {  	vm1 =	veq.s32 v6, $0x1;
	(xrf0) =	vadd.scan.msk.s32 $0xffff, v6;
	_ =	sdelay $0x5  }
0x47: {  	v6 =	vor.u32 s7, v0;
	s7 =	smov.u32 s9;
	v7, _, _ =	vpop (xrf0)  }
0x48: {  	v9 =	vadd.s32 v5, v6;
	v8 =	vadd.s32 s8, v7;
	(v2sf) =	vpush v7, $0xF  }
0x49: {  	v7 =	vadd.s32 $0xFFFFFFFF, v8;
	v8 =	vsub.s32 v9, v8  }
0x4a: {  	v7 =	vsel vm1, v7, v8  }
0x4b: {  	v7 =	vsub.s32 v7, v1  }
0x4c: {  	vm1 =	vlt.u32 v7, $0x100  }
0x4d: {  	v7 =	vnsel vm1, $0x0, v7  }
0x4e: {  	v8 =	vand.u32 $0xF, v7;
	v7 =	vshll.u32 v7, $0x3  }
0x4f: {  	v7 =	vand.u32 $0xFFFFFF80, v7  }
0x50: {  	v7 =	vor.u32 v8, v7;
	_ =	sdelay $0x1  }
.Ltmp1:
0x51: {  	(pc) =	sbr.rel @p0 .LBB2_4-.Ltmp1, $3  }
0x52: {  	_ =	sdelay $0x1  }
0x53: {  	s10 =	sadd.s32 $0x10, s10;
	[tilespmem:v7+s5+$0x0] =	vst.idx.msk vm1, v6  }
0x54: {  	s9 =	sadd.s32 $0x10, s9;
	v6 =	vld [tilespmem:s10+$0x0]  }
0x55: {  	_ =	sdelay $0x3  }
0x56: {  	(xrf0) =	vadd.scan.msk.s32 $0xffff, v6;
	_ =	sdelay $0x5  }
0x57: {  	v7, _, _ =	vpop (xrf0)  }
0x58: {  	s9 =	spop (v2sf);
	(v2sf) =	vpush v7, $0xF  }
0x59: {  	v8 =	vor.u32 s7, v0;
	s8 =	sadd.s32 s8, s9  }
0x5a: {  	v5 =	vadd.s32 v5, v8;
	v7 =	vadd.s32 s8, v7  }
0x5b: {  	vm1 =	veq.s32 v6, $0x1;
	v6 =	vadd.s32 $0xFFFFFFFF, v7;
	v5 =	vsub.s32 v5, v7  }
0x5c: {  	v5 =	vsel vm1, v6, v5  }
0x5d: {  	v5 =	vsub.s32 v5, v1  }
0x5e: {  	vm1 =	vlt.u32 v5, $0x100  }
0x5f: {  	v5 =	vnsel vm1, $0x0, v5  }
0x60: {  	v6 =	vshll.u32 v5, $0x3  }
0x61: {  	v5 =	vand.u32 $0xF, v5;
	v6 =	vand.u32 $0xFFFFFF80, v6  }
0x62: {  	v5 =	vor.u32 v5, v6;
	_ =	sdelay $0x4  }
0x63: {  	[tilespmem:v5+s5+$0x0] =	vst.idx.msk vm1, v8;
	s31 =	spop (v2sf)  }
.LBB2_6:
0x64: {  	s7 =	sshra.s32 s12, $0x2  }
0x65: {  	v5 =	vld [tilespmem:s7+$0x2000];
	_ =	sdelay $0x4  }
0x66: {  	v6 =	vshll.u32 v5, $0x5  }
0x67: {  	v5 =	vand.u32 $0x7, v5;
	v6 =	vand.u32 $0xFFFFFF00, v6  }
0x68: {  	v5 =	vor.u32 v5, v6  }
0x69: {  	v6 =	vperm.xlane v5, v2;
	_ =	sdelay $0x1  }
0x6a: {  	v6 =	vadd.s32 v3, v6;
	_ =	sdelay $0x3  }
0x6b: {  	s8 =	rddreg [dreg:$0x0];
	s10 =	simm.s32 $0x2800  }
0x6c: {  	[tilespmem:s10], [sflag:$0x1] =	stream.indirect_vreg.gather [hbm4b:s8+s2], $0x80, v6, vm0, $0xb8;
	[tilespmem:$0x12800] =	vst v63  }
0x6d: {  	s11 =	simm.s32 $0x3000;
	s1 =	rddreg [dreg:$0x5]  }
0x6e: {  	[tilespmem:s11], [sflag:$0x1] =	stream.indirect_vreg.gather [hbm4b:s1+s2], $0x80, v6, vm0, $0xb8;
	[tilespmem:$0x12800] =	vst v63  }
0x6f: {  	s13 =	simm.s32 $0x3800;
	s6 =	rddreg [dreg:$0x6]  }
0x70: {  	[tilespmem:s13], [sflag:$0x1] =	stream.indirect_vreg.gather [hbm4b:s6+s2], $0x80, v6, vm0, $0xb8;
	[tilespmem:$0x12800] =	vst v63  }
0x71: {  	s14 =	simm.s32 $0x4000;
	s0 =	rddreg [dreg:$0x7]  }
0x72: {  	[tilespmem:s14], [sflag:$0x1] =	stream.indirect_vreg.gather [hbm4b:s0+s2], $0x80, v6, vm0, $0xb8;
	[tilespmem:$0x12800] =	vst v63  }
0x73: {  	s3 =	rddreg [dreg:$0x8];
	s16 =	simm.s32 $0x4800  }
0x74: {  	[tilespmem:s16], [sflag:$0x1] =	stream.indirect_vreg.gather [hbm4b:s3+s2], $0x80, v6, vm0, $0xb8;
	[tilespmem:$0x12800] =	vst v63  }
0x75: {  	s4 =	rddreg [dreg:$0x9];
	s17 =	simm.s32 $0x5000  }
0x76: {  	[tilespmem:s17], [sflag:$0x1] =	stream.indirect_vreg.gather [hbm4b:s4+s2], $0x80, v6, vm0, $0xb8;
	[tilespmem:$0x12800] =	vst v63  }
0x77: {  	s9 =	rddreg [dreg:$0xa]  }
0x78: {  	[tilespmem:s25], [sflag:$0x1] =	stream.indirect_vreg.gather [hbm4b:s9+s2], $0x80, v6, vm0, $0xb8;
	[tilespmem:$0x12800] =	vst v63  }
0x79: {  	s15 =	rddreg [dreg:$0xb]  }
0x7a: {  	[tilespmem:s28], [sflag:$0x1] =	stream.indirect_vreg.gather [hbm4b:s15+s2], $0x80, v6, vm0, $0xb8;
	[tilespmem:$0x12800] =	vst v63  }
0x7b: {  	s18 =	rddreg [dreg:$0xc]  }
0x7c: {  	[tilespmem:s29], [sflag:$0x1] =	stream.indirect_vreg.gather [hbm4b:s18+s2], $0x80, v6, vm0, $0xb8;
	[tilespmem:$0x12800] =	vst v63  }
0x7d: {  	s19 =	rddreg [dreg:$0xd]  }
0x7e: {  	[tilespmem:s30], [sflag:$0x1] =	stream.indirect_vreg.gather [hbm4b:s19+s2], $0x80, v6, vm0, $0xb8;
	[tilespmem:$0x12800] =	vst v63  }
0x7f: {  	s20 =	rddreg [dreg:$0xe];
	s21 =	simm.s32 $0x7800  }
0x80: {  	[tilespmem:s21], [sflag:$0x1] =	stream.indirect_vreg.gather [hbm4b:s20+s2], $0x80, v6, vm0, $0xb8;
	[tilespmem:$0x12800] =	vst v63  }
0x81: {  	s22 =	simm.s32 $0x8000;
	s21 =	rddreg [dreg:$0xf]  }
0x82: {  	[tilespmem:s22], [sflag:$0x1] =	stream.indirect_vreg.gather [hbm4b:s21+s2], $0x80, v6, vm0, $0xb8;
	[tilespmem:$0x12800] =	vst v63  }
0x83: {  	s23 =	simm.s32 $0x8800;
	s22 =	rddreg [dreg:$0x10]  }
0x84: {  	[tilespmem:s23], [sflag:$0x1] =	stream.indirect_vreg.gather [hbm4b:s22+s2], $0x80, v6, vm0, $0xb8;
	[tilespmem:$0x12800] =	vst v63  }
0x85: {  	s24 =	simm.s32 $0x9000;
	v5 =	vperm.xlane v5, v4;
	s23 =	rddreg [dreg:$0x11]  }
0x86: {  	[tilespmem:s24], [sflag:$0x1] =	stream.indirect_vreg.gather [hbm4b:s23+s2], $0x80, v6, vm0, $0xb8;
	[tilespmem:$0x12800] =	vst v63  }
0x87: {  	s26 =	simm.s32 $0x9800;
	v5 =	vadd.s32 v3, v5;
	s24 =	rddreg [dreg:$0x12]  }
0x88: {  	[tilespmem:s26], [sflag:$0x1] =	stream.indirect_vreg.gather [hbm4b:s24+s2], $0x80, v6, vm0, $0xb8;
	[tilespmem:$0x12800] =	vst v63  }
0x89: {  	s31 =	simm.s32 $0xA000;
	s26 =	rddreg [dreg:$0x13]  }
0x8a: {  	[tilespmem:s31], [sflag:$0x1] =	stream.indirect_vreg.gather [hbm4b:s26+s2], $0x80, v6, vm0, $0xb8;
	[tilespmem:$0x12800] =	vst v63  }
0x8b: {  	s31 =	simm.s32 $0xA800  }
0x8c: {  	[tilespmem:s31], [sflag:$0x1] =	stream.indirect_vreg.gather [hbm4b:s8+s2], $0x80, v5, vm0, $0xb8;
	[tilespmem:$0x12800] =	vst v63  }
0x8d: {  	s8 =	simm.s32 $0xB000  }
0x8e: {  	[tilespmem:s8], [sflag:$0x1] =	stream.indirect_vreg.gather [hbm4b:s1+s2], $0x80, v5, vm0, $0xb8;
	[tilespmem:$0x12800] =	vst v63  }
0x8f: {  	s8 =	simm.s32 $0xB800  }
0x90: {  	[tilespmem:s8], [sflag:$0x1] =	stream.indirect_vreg.gather [hbm4b:s6+s2], $0x80, v5, vm0, $0xb8;
	[tilespmem:$0x12800] =	vst v63  }
0x91: {  	s6 =	simm.s32 $0xC000  }
0x92: {  	[tilespmem:s6], [sflag:$0x1] =	stream.indirect_vreg.gather [hbm4b:s0+s2], $0x80, v5, vm0, $0xb8;
	[tilespmem:$0x12800] =	vst v63  }
0x93: {  	s1 =	simm.s32 $0xC800  }
0x94: {  	[tilespmem:s1], [sflag:$0x1] =	stream.indirect_vreg.gather [hbm4b:s3+s2], $0x80, v5, vm0, $0xb8;
	[tilespmem:$0x12800] =	vst v63  }
0x95: {  	s0 =	simm.s32 $0xD000  }
0x96: {  	[tilespmem:s0], [sflag:$0x1] =	stream.indirect_vreg.gather [hbm4b:s4+s2], $0x80, v5, vm0, $0xb8;
	[tilespmem:$0x12800] =	vst v63  }
0x97: {  	s4 =	simm.s32 $0xD800  }
0x98: {  	[tilespmem:s4], [sflag:$0x1] =	stream.indirect_vreg.gather [hbm4b:s9+s2], $0x80, v5, vm0, $0xb8;
	[tilespmem:$0x12800] =	vst v63  }
0x99: {  	s8 =	simm.s32 $0xE000  }
0x9a: {  	[tilespmem:s8], [sflag:$0x1] =	stream.indirect_vreg.gather [hbm4b:s15+s2], $0x80, v5, vm0, $0xb8;
	[tilespmem:$0x12800] =	vst v63  }
0x9b: {  	s9 =	simm.s32 $0xE800  }
0x9c: {  	[tilespmem:s9], [sflag:$0x1] =	stream.indirect_vreg.gather [hbm4b:s18+s2], $0x80, v5, vm0, $0xb8;
	[tilespmem:$0x12800] =	vst v63  }
0x9d: {  	s15 =	simm.s32 $0xF000  }
0x9e: {  	[tilespmem:s15], [sflag:$0x1] =	stream.indirect_vreg.gather [hbm4b:s19+s2], $0x80, v5, vm0, $0xb8;
	[tilespmem:$0x12800] =	vst v63  }
0x9f: {  	s18 =	simm.s32 $0xF800  }
0xa0: {  	[tilespmem:s18], [sflag:$0x1] =	stream.indirect_vreg.gather [hbm4b:s20+s2], $0x80, v5, vm0, $0xb8;
	[tilespmem:$0x12800] =	vst v63  }
0xa1: {  	s19 =	simm.s32 $0x10000  }
0xa2: {  	[tilespmem:s19], [sflag:$0x1] =	stream.indirect_vreg.gather [hbm4b:s21+s2], $0x80, v5, vm0, $0xb8;
	[tilespmem:$0x12800] =	vst v63  }
0xa3: {  	s20 =	simm.s32 $0x10800  }
0xa4: {  	[tilespmem:s20], [sflag:$0x1] =	stream.indirect_vreg.gather [hbm4b:s22+s2], $0x80, v5, vm0, $0xb8;
	[tilespmem:$0x12800] =	vst v63  }
0xa5: {  	s21 =	simm.s32 $0x11000  }
0xa6: {  	[tilespmem:s21], [sflag:$0x1] =	stream.indirect_vreg.gather [hbm4b:s23+s2], $0x80, v5, vm0, $0xb8;
	[tilespmem:$0x12800] =	vst v63  }
0xa7: {  	s23 =	simm.s32 $0x11800  }
0xa8: {  	[tilespmem:s23], [sflag:$0x1] =	stream.indirect_vreg.gather [hbm4b:s24+s2], $0x80, v5, vm0, $0xb8;
	[tilespmem:$0x12800] =	vst v63  }
0xa9: {  	s22 =	simm.s32 $0x1;
	s24 =	simm.s32 $0x12000  }
0xaa: {  	[tilespmem:s24], [sflag:$0x1] =	stream.indirect_vreg.gather [hbm4b:s26+s2], $0x80, v5, vm0, $0xb8;
	[tilespmem:$0x12800] =	vst v63  }
0xab: {  	_ =	swait.ge [sflag:s22], $0x10000  }
0xac: {  	[sflag:s22] =	ssyncset.done $0x0  }
0xad: {  	[sflag:s22] =	ssyncadd.s32 $0xFFFF0000  }
0xae: {  	v5 =	vld [tilespmem:s7+$0x2000];
	_ =	sdelay $0x4  }
0xaf: {  	v6 =	vshll.u32 v5, $0x5  }
0xb0: {  	v5 =	vand.u32 $0x7, v5;
	v6 =	vand.u32 $0xFFFFFF00, v6  }
0xb1: {  	v5 =	vor.u32 v5, v6  }
0xb2: {  	v6 =	vperm.xlane v5, v2;
	_ =	sdelay $0x1  }
0xb3: {  	v6 =	vadd.s32 v3, v6;
	_ =	sdelay $0x2  }
0xb4: {  	s18 =	rddreg [dreg:$0x14]  }
0xb5: {  	s15 =	rddreg [dreg:$0x2]  }
0xb6: {  	[hbm4b:s15+s2] =	stream.indirect_vreg.scatter [tilespmem:s10], [sflag:$0x2], $0x80, v6, vm0, $0xb8;
	[tilespmem:$0x12800] =	vst v63  }
0xb7: {  	s19 =	rddreg [dreg:$0x15]  }
0xb8: {  	[hbm4b:s18+s2] =	stream.indirect_vreg.scatter [tilespmem:s11], [sflag:$0x2], $0x80, v6, vm0, $0xb8;
	[tilespmem:$0x12800] =	vst v63  }
0xb9: {  	s20 =	rddreg [dreg:$0x16]  }
0xba: {  	[hbm4b:s19+s2] =	stream.indirect_vreg.scatter [tilespmem:s13], [sflag:$0x2], $0x80, v6, vm0, $0xb8;
	[tilespmem:$0x12800] =	vst v63  }
0xbb: {  	s21 =	rddreg [dreg:$0x17]  }
0xbc: {  	[hbm4b:s20+s2] =	stream.indirect_vreg.scatter [tilespmem:s14], [sflag:$0x2], $0x80, v6, vm0, $0xb8;
	[tilespmem:$0x12800] =	vst v63  }
0xbd: {  	s3 =	rddreg [dreg:$0x19]  }
0xbe: {  	[hbm4b:s21+s2] =	stream.indirect_vreg.scatter [tilespmem:s16], [sflag:$0x2], $0x80, v6, vm0, $0xb8;
	[tilespmem:$0x12800] =	vst v63  }
0xbf: {  	s22 =	rddreg [dreg:$0x18]  }
0xc0: {  	[hbm4b:s22+s2] =	stream.indirect_vreg.scatter [tilespmem:s17], [sflag:$0x2], $0x80, v6, vm0, $0xb8;
	[tilespmem:$0x12800] =	vst v63  }
0xc1: {  	s4 =	rddreg [dreg:$0x1a]  }
0xc2: {  	[hbm4b:s3+s2] =	stream.indirect_vreg.scatter [tilespmem:s25], [sflag:$0x2], $0x80, v6, vm0, $0xb8;
	[tilespmem:$0x12800] =	vst v63  }
0xc3: {  	s8 =	rddreg [dreg:$0x1b]  }
0xc4: {  	[hbm4b:s4+s2] =	stream.indirect_vreg.scatter [tilespmem:s28], [sflag:$0x2], $0x80, v6, vm0, $0xb8;
	[tilespmem:$0x12800] =	vst v63  }
0xc5: {  	s9 =	sld [smem:$0x7FA]  }
0xc6: {  	[hbm4b:s8+s2] =	stream.indirect_vreg.scatter [tilespmem:s29], [sflag:$0x2], $0x80, v6, vm0, $0xb8;
	[tilespmem:$0x12800] =	vst v63  }
0xc7: {  	s16 =	rddreg [dreg:$0x1d]  }
0xc8: {  	[hbm4b:s16+s2] =	stream.indirect_vreg.scatter [tilespmem:s30], [sflag:$0x2], $0x80, v6, vm0, $0xb8;
	[tilespmem:$0x12800] =	vst v63  }
0xc9: {  	s26 =	simm.s32 $0x7800;
	s7 =	rddreg [dreg:$0x1e]  }
0xca: {  	[hbm4b:s7+s2] =	stream.indirect_vreg.scatter [tilespmem:s26], [sflag:$0x2], $0x80, v6, vm0, $0xb8;
	[tilespmem:$0x12800] =	vst v63  }
0xcb: {  	s10 =	simm.s32 $0x8000;
	s11 =	rddreg [dreg:$0x1f]  }
0xcc: {  	[hbm4b:s11+s2] =	stream.indirect_vreg.scatter [tilespmem:s10], [sflag:$0x2], $0x80, v6, vm0, $0xb8;
	[tilespmem:$0x12800] =	vst v63  }
0xcd: {  	s13 =	simm.s32 $0x8800;
	s10 =	sld [smem:$0x7FB]  }
0xce: {  	[hbm4b:s9+s2] =	stream.indirect_vreg.scatter [tilespmem:s13], [sflag:$0x2], $0x80, v6, vm0, $0xb8;
	[tilespmem:$0x12800] =	vst v63  }
0xcf: {  	v5 =	vperm.xlane v5, v4;
	s14 =	simm.s32 $0x9000;
	s13 =	sld [smem:$0x7FC]  }
0xd0: {  	[hbm4b:s10+s2] =	stream.indirect_vreg.scatter [tilespmem:s14], [sflag:$0x2], $0x80, v6, vm0, $0xb8;
	[tilespmem:$0x12800] =	vst v63  }
0xd1: {  	v5 =	vadd.s32 v3, v5;
	s17 =	simm.s32 $0x9800;
	s14 =	sld [smem:$0x7FD]  }
0xd2: {  	[hbm4b:s13+s2] =	stream.indirect_vreg.scatter [tilespmem:s17], [sflag:$0x2], $0x80, v6, vm0, $0xb8;
	[tilespmem:$0x12800] =	vst v63  }
0xd3: {  	s26 =	simm.s32 $0xA000  }
0xd4: {  	[hbm4b:s14+s2] =	stream.indirect_vreg.scatter [tilespmem:s26], [sflag:$0x2], $0x80, v6, vm0, $0xb8;
	[tilespmem:$0x12800] =	vst v63  }
0xd5: {  	s31 =	simm.s32 $0xA800  }
0xd6: {  	[hbm4b:s15+s2] =	stream.indirect_vreg.scatter [tilespmem:s31], [sflag:$0x2], $0x80, v5, vm0, $0xb8;
	[tilespmem:$0x12800] =	vst v63  }
0xd7: {  	s26 =	simm.s32 $0xB000  }
0xd8: {  	[hbm4b:s18+s2] =	stream.indirect_vreg.scatter [tilespmem:s26], [sflag:$0x2], $0x80, v5, vm0, $0xb8;
	[tilespmem:$0x12800] =	vst v63  }
0xd9: {  	s31 =	simm.s32 $0xB800  }
0xda: {  	[hbm4b:s19+s2] =	stream.indirect_vreg.scatter [tilespmem:s31], [sflag:$0x2], $0x80, v5, vm0, $0xb8;
	[tilespmem:$0x12800] =	vst v63  }
0xdb: {  	_ = 	snop  }
0xdc: {  	[hbm4b:s20+s2] =	stream.indirect_vreg.scatter [tilespmem:s6], [sflag:$0x2], $0x80, v5, vm0, $0xb8;
	[tilespmem:$0x12800] =	vst v63  }
0xdd: {  	_ = 	snop  }
0xde: {  	[hbm4b:s21+s2] =	stream.indirect_vreg.scatter [tilespmem:s1], [sflag:$0x2], $0x80, v5, vm0, $0xb8;
	[tilespmem:$0x12800] =	vst v63  }
0xdf: {  	_ = 	snop  }
0xe0: {  	[hbm4b:s22+s2] =	stream.indirect_vreg.scatter [tilespmem:s0], [sflag:$0x2], $0x80, v5, vm0, $0xb8;
	[tilespmem:$0x12800] =	vst v63  }
0xe1: {  	s15 =	simm.s32 $0xD800  }
0xe2: {  	[hbm4b:s3+s2] =	stream.indirect_vreg.scatter [tilespmem:s15], [sflag:$0x2], $0x80, v5, vm0, $0xb8;
	[tilespmem:$0x12800] =	vst v63  }
0xe3: {  	s17 =	simm.s32 $0xE000  }
0xe4: {  	[hbm4b:s4+s2] =	stream.indirect_vreg.scatter [tilespmem:s17], [sflag:$0x2], $0x80, v5, vm0, $0xb8;
	[tilespmem:$0x12800] =	vst v63  }
0xe5: {  	s18 =	simm.s32 $0xE800  }
0xe6: {  	[hbm4b:s8+s2] =	stream.indirect_vreg.scatter [tilespmem:s18], [sflag:$0x2], $0x80, v5, vm0, $0xb8;
	[tilespmem:$0x12800] =	vst v63  }
0xe7: {  	s19 =	simm.s32 $0xF000  }
0xe8: {  	[hbm4b:s16+s2] =	stream.indirect_vreg.scatter [tilespmem:s19], [sflag:$0x2], $0x80, v5, vm0, $0xb8;
	[tilespmem:$0x12800] =	vst v63  }
0xe9: {  	s20 =	simm.s32 $0xF800  }
0xea: {  	[hbm4b:s7+s2] =	stream.indirect_vreg.scatter [tilespmem:s20], [sflag:$0x2], $0x80, v5, vm0, $0xb8;
	[tilespmem:$0x12800] =	vst v63  }
0xeb: {  	s21 =	simm.s32 $0x10000  }
0xec: {  	[hbm4b:s11+s2] =	stream.indirect_vreg.scatter [tilespmem:s21], [sflag:$0x2], $0x80, v5, vm0, $0xb8;
	[tilespmem:$0x12800] =	vst v63  }
0xed: {  	s22 =	simm.s32 $0x10800  }
0xee: {  	[hbm4b:s9+s2] =	stream.indirect_vreg.scatter [tilespmem:s22], [sflag:$0x2], $0x80, v5, vm0, $0xb8;
	[tilespmem:$0x12800] =	vst v63  }
0xef: {  	s26 =	simm.s32 $0x11000  }
0xf0: {  	[hbm4b:s10+s2] =	stream.indirect_vreg.scatter [tilespmem:s26], [sflag:$0x2], $0x80, v5, vm0, $0xb8;
	[tilespmem:$0x12800] =	vst v63  }
0xf1: {  	p0 =	sne.s32 s12, $0x1E00  }
0xf2: {  	[hbm4b:s13+s2] =	stream.indirect_vreg.scatter [tilespmem:s23], [sflag:$0x2], $0x80, v5, vm0, $0xb8;
	[tilespmem:$0x12800] =	vst v63  }
.Ltmp2:
0xf3: {  	s31 =	simm.s32 $0x2;
	(pc) =	sbr.rel @p0 .LBB2_6-.Ltmp2, $4  }
0xf4: {  	[hbm4b:s14+s2] =	stream.indirect_vreg.scatter [tilespmem:s24], [sflag:$0x2], $0x80, v5, vm0, $0xb8;
	[tilespmem:$0x12800] =	vst v63  }
0xf5: {  	_ =	swait.ge [sflag:s31], $0x10000  }
0xf6: {  	[sflag:s31] =	ssyncset.done $0x0  }
0xf7: {  	s12 =	sadd.s32 $0x200, s12;
	[sflag:s31] =	ssyncadd.s32 $0xFFFF0000  }
0xf8: {  	s7 =	sld [smem:$0x7F9];
	_ =	sdelay $0x2  }
0xf9: {  	s6 =	rddreg [dreg:$0x1c];
	s7 =	sadd.s32 $0x1, s7  }
0xfa: {  	p0 =	sne.s32 s7, s6  }
.Ltmp3:
0xfb: {  	_ = 	snop;
	(pc) =	sbr.rel @p0 .LBB2_1-.Ltmp3, $1  }
0xfc: {  	_ =	sdelay $0x3  }
0xfd: {  	_ =	sfence.sel $0x180000  }
0xfe: {  	[bflag:$0x0] =	sbarrier.arrive $0xFFFF  }
0xff: {  	_ =	strace $0x90000047  }
0x100: {  	s0 =	stileid.u32;
	[bflag:$0x2] =	sbarrier.arrive $0xFFFF  }
0x101: {  	p0 =	sne.s32 s0, $0x0;
	s0 =	rddreg [dreg:$0x3]  }
0x102: {  	s0 =	sadd.s32 @!p0 $0x100000, s0  }
0x103: {  	[sflag:s0] =	ssyncadd.tile.s32 @!p0 $0x1;
	_ =	shalt  }
.Lfunc_end2:
_tile_overlayer_lowered:
.L_overlay_start_2:
0x104: {  	(tag) =	ssettag $0x2  }
0x105: {  	s0 =	rddreg [dreg:$0x0];
	s2 =	stileid.u32  }
0x106: {  	s1 =	rddreg [dreg:$0x1];
	p0 =	sne.s32 s2, $0x0  }
0x107: {  	s3 =	rddreg [dreg:$0x2];
	[bflag:$0x3] =	sbarrier.arrive $0xFFFF;
	s2 =	simm.s32 @!p0 $0x1C03  }
0x108: {  	[timem:s3], [sflag:s2] =	dma.local @!p0 [hbm:s0], s1  }
0x109: {  	s0 =	simm.s32 @!p0 $0x3  }
0x10a: {  	_ =	swait.ge @!p0 [sflag:s0], s1  }
0x10b: {  	s1 =	ssub.s32 @!p0 $0x0, s1;
	[sflag:s0] =	ssyncset.done @!p0 $0x0  }
0x10c: {  	[sflag:s0] =	ssyncadd.s32 @!p0 s1  }
0x10d: {  	[bflag:$0x3] =	sbarrier.arrive $0xFFFF  }
0x10e: {  	_ =	shalt  }

</sc_bundles>
